<compile_context>
chip_gen: v7x
topology: tpu7x:2x2x1
jax: 0.10.2.dev20260603
libtpu: 0.0.44.dev20260713+nightly
codegen_flags: <defaults>
</compile_context>

<pallas_src>
import jax
import jax.numpy as jnp
from jax.experimental import pallas as pl

_B, _C, _H, _W = 16, 384, 56, 56
_PS = 3
_STRIDE = 26
_NP = 9


_BB = 16


def _crop_kernel(xt_ref, out_ref):
    nb = pl.program_id(1)
    mb = pl.program_id(2)
    roff = 2 * nb
    woff = 2 * mb
    for pr in range(_PS):
        for pc in range(_PS):
            out_ref[:, _PS * nb + mb, _PS * pr + pc, :] = (
                xt_ref[:, roff + pr, woff + pc, :]
            )


@jax.jit
def kernel(x):
    xt = jnp.transpose(x, (0, 2, 3, 1))
    out5 = pl.pallas_call(
        _crop_kernel,
        grid=(_B // _BB, _PS, _PS),
        in_specs=[
            pl.BlockSpec(
                (_BB, 8, 8, _C),
                lambda b, nb, mb: (b, 3 * nb, 3 * mb, 0),
            ),
        ],
        out_specs=pl.BlockSpec(
            (_BB, _NP, _PS * _PS, _C),
            lambda b, nb, mb: (b, 0, 0, 0),
        ),
        out_shape=jax.ShapeDtypeStruct((_B, _NP, _PS * _PS, _C), jnp.float32),
    )(xt)
    perm = jnp.asarray(
        [(k % _NP) * _C + k // _NP for k in range(_C * _NP)], jnp.int32)
    flat = out5.reshape(_B, _NP, _PS * _PS * _C)
    return jnp.take(flat, perm, axis=2)

# --- scband reference (transcript-rebuilt; emitter-appended) ---
"""Pipeline reference for scband-crop-patches-9148280341188 (READ-ONLY COPY).

The authoritative reference and input builder live on the scoring server;
editing this copy changes nothing except your own understanding.
"""

import jax, jax.numpy as jnp
import numpy as np

PATCH_SIZE = 3
NO_OF_PATCHES = 9
HEIGHT = 56
WIDTH = 56


def _get_indices(height_feat, width_feat, no_of_patches, patch_size):
    height_indices = [np.linspace(0, height_feat, 3, dtype=np.int64)]
    width_indices = [np.linspace(0, width_feat, 3, dtype=np.int64)]
    if no_of_patches == 13:
        height_indices.append([height_feat // 4, 3 * height_feat // 4])
        width_indices.append([width_feat // 4, 3 * width_feat // 4])
    columns_indices = [[int(index + i) for index in sublist for i in range(patch_size)] for sublist in height_indices]
    rows_indices = [[int(index + i) for index in sublist for i in range(patch_size)] for sublist in width_indices]
    return columns_indices, rows_indices


def setup_inputs(seed: int = 0) -> dict:
    key = jax.random.key(seed)
    x = jax.random.normal(key, (16, 384, HEIGHT, WIDTH), dtype=jnp.float32)
    return {"x": x}


def reference(x):
    margin = 4 if PATCH_SIZE == 3 else 1
    cols_list, rows_list = _get_indices(HEIGHT - margin, WIDTH - margin, NO_OF_PATCHES, PATCH_SIZE)
    B, C, hf, wf = x.shape
    outs = []
    for cols, rows in zip(cols_list, rows_list):
        cols = jnp.asarray(cols, dtype=jnp.int32)
        rows = jnp.asarray(rows, dtype=jnp.int32)
        # gather along width (dim 3), then height (dim 2)
        p = jnp.take(x, cols, axis=3)
        p = jnp.take(p, rows, axis=2)  # [B, C, len(rows), len(cols)]
        n = rows.shape[0] // PATCH_SIZE  # blocks along height
        m = cols.shape[0] // PATCH_SIZE  # blocks along width
        # F.unfold(kernel=ps, stride=ps) -> view [B,C,ps,ps,L] -> permute [B,L,C,ps,ps] -> flatten
        p = p.reshape(B, C, n, PATCH_SIZE, m, PATCH_SIZE)
        p = jnp.transpose(p, (0, 2, 4, 1, 3, 5))  # [B, n, m, C, ps, ps]
        p = p.reshape(B, n * m, C * PATCH_SIZE * PATCH_SIZE)
        outs.append(p)
    return jnp.concatenate(outs, axis=1)

if __name__ == "__main__":
    import jax
    _d = setup_inputs()
    print(jax.jit(kernel)(*tuple(_d.values())))

</pallas_src>

<mosaic_0001>
module attributes {stable_mosaic.version = 14 : i64} {
  func.func @_crop_kernel(%arg0: i32, %arg1: i32, %arg2: i32, %arg3: memref<16x8x8x384xf32, #tpu.memory_space<vmem>>, %arg4: memref<16x9x9x384xf32, #tpu.memory_space<vmem>>) attributes {dimension_semantics = [#tpu.dimension_semantics<arbitrary>, #tpu.dimension_semantics<arbitrary>, #tpu.dimension_semantics<arbitrary>], iteration_bounds = array<i64: 1, 3, 3>, scalar_prefetch = 0 : i64, scratch_operands = 0 : i64, tpu.core_type = #tpu.core_type<tc>, window_params = [{transform_indices = @transform_0, window_bounds = array<i64: 16, 8, 8, 384>}, {transform_indices = @transform_1, window_bounds = array<i64: 16, 9, 9, 384>}]} {
    %mul3A = arith.constant 2 : i32
    %mul3A_0 = arith.muli %mul3A, %arg1 : i32
    %mul3A_1 = arith.constant 2 : i32
    %mul3A_2 = arith.muli %mul3A_1, %arg2 : i32
    %add3A = arith.constant 0 : i32
    %add3A_3 = arith.addi %mul3A_0, %add3A : i32
    %add3A_4 = arith.constant 0 : i32
    %add3A_5 = arith.addi %mul3A_2, %add3A_4 : i32
    %get3A = arith.constant 0 : index
    %get3A_6 = arith.index_cast %add3A_3 : i32 to index
    %get3A_7 = arith.index_cast %add3A_5 : i32 to index
    %get3A_8 = arith.constant 0 : index
    %get3A_9 = vector.load %arg3[%get3A, %get3A_6, %get3A_7, %get3A_8] : memref<16x8x8x384xf32, #tpu.memory_space<vmem>>, vector<16x1x1x384xf32>
    %get3A_10 = vector.shape_cast %get3A_9 : vector<16x1x1x384xf32> to vector<16x384xf32>
    %mul3A_11 = arith.constant 3 : i32
    %mul3A_12 = arith.muli %mul3A_11, %arg1 : i32
    %add3A_13 = arith.addi %mul3A_12, %arg2 : i32
    %swap3A = arith.constant 0 : index
    %swap3A_14 = arith.index_cast %add3A_13 : i32 to index
    %swap3A_15 = arith.constant 0 : index
    %swap3A_16 = arith.constant 0 : index
    %swap3A_17 = vector.load %arg4[%swap3A, %swap3A_14, %swap3A_15, %swap3A_16] : memref<16x9x9x384xf32, #tpu.memory_space<vmem>>, vector<16x1x1x384xf32>
    %swap3A_18 = vector.shape_cast %swap3A_17 : vector<16x1x1x384xf32> to vector<16x384xf32>
    %swap3A_19 = vector.shape_cast %get3A_10 : vector<16x384xf32> to vector<16x1x1x384xf32>
    tpu.vector_store %arg4[%swap3A, %swap3A_14, %swap3A_15, %swap3A_16], %swap3A_19 {strides = array<i32>} : memref<16x9x9x384xf32, #tpu.memory_space<vmem>>, vector<16x1x1x384xf32>,
    %add3A_20 = arith.constant 0 : i32
    %add3A_21 = arith.addi %mul3A_0, %add3A_20 : i32
    %add3A_22 = arith.constant 1 : i32
    %add3A_23 = arith.addi %mul3A_2, %add3A_22 : i32
    %get3A_24 = arith.constant 0 : index
    %get3A_25 = arith.index_cast %add3A_21 : i32 to index
    %get3A_26 = arith.index_cast %add3A_23 : i32 to index
    %get3A_27 = arith.constant 0 : index
    %get3A_28 = vector.load %arg3[%get3A_24, %get3A_25, %get3A_26, %get3A_27] : memref<16x8x8x384xf32, #tpu.memory_space<vmem>>, vector<16x1x1x384xf32>
    %get3A_29 = vector.shape_cast %get3A_28 : vector<16x1x1x384xf32> to vector<16x384xf32>
    %mul3A_30 = arith.constant 3 : i32
    %mul3A_31 = arith.muli %mul3A_30, %arg1 : i32
    %add3A_32 = arith.addi %mul3A_31, %arg2 : i32
    %swap3A_33 = arith.constant 0 : index
    %swap3A_34 = arith.index_cast %add3A_32 : i32 to index
    %swap3A_35 = arith.constant 1 : index
    %swap3A_36 = arith.constant 0 : index
    %swap3A_37 = vector.load %arg4[%swap3A_33, %swap3A_34, %swap3A_35, %swap3A_36] : memref<16x9x9x384xf32, #tpu.memory_space<vmem>>, vector<16x1x1x384xf32>
    %swap3A_38 = vector.shape_cast %swap3A_37 : vector<16x1x1x384xf32> to vector<16x384xf32>
    %swap3A_39 = vector.shape_cast %get3A_29 : vector<16x384xf32> to vector<16x1x1x384xf32>
    tpu.vector_store %arg4[%swap3A_33, %swap3A_34, %swap3A_35, %swap3A_36], %swap3A_39 {strides = array<i32>} : memref<16x9x9x384xf32, #tpu.memory_space<vmem>>, vector<16x1x1x384xf32>,
    %add3A_40 = arith.constant 0 : i32
    %add3A_41 = arith.addi %mul3A_0, %add3A_40 : i32
    %add3A_42 = arith.constant 2 : i32
    %add3A_43 = arith.addi %mul3A_2, %add3A_42 : i32
    %get3A_44 = arith.constant 0 : index
    %get3A_45 = arith.index_cast %add3A_41 : i32 to index
    %get3A_46 = arith.index_cast %add3A_43 : i32 to index
    %get3A_47 = arith.constant 0 : index
    %get3A_48 = vector.load %arg3[%get3A_44, %get3A_45, %get3A_46, %get3A_47] : memref<16x8x8x384xf32, #tpu.memory_space<vmem>>, vector<16x1x1x384xf32>
    %get3A_49 = vector.shape_cast %get3A_48 : vector<16x1x1x384xf32> to vector<16x384xf32>
    %mul3A_50 = arith.constant 3 : i32
    %mul3A_51 = arith.muli %mul3A_50, %arg1 : i32
    %add3A_52 = arith.addi %mul3A_51, %arg2 : i32
    %swap3A_53 = arith.constant 0 : index
    %swap3A_54 = arith.index_cast %add3A_52 : i32 to index
    %swap3A_55 = arith.constant 2 : index
    %swap3A_56 = arith.constant 0 : index
    %swap3A_57 = vector.load %arg4[%swap3A_53, %swap3A_54, %swap3A_55, %swap3A_56] : memref<16x9x9x384xf32, #tpu.memory_space<vmem>>, vector<16x1x1x384xf32>
    %swap3A_58 = vector.shape_cast %swap3A_57 : vector<16x1x1x384xf32> to vector<16x384xf32>
    %swap3A_59 = vector.shape_cast %get3A_49 : vector<16x384xf32> to vector<16x1x1x384xf32>
    tpu.vector_store %arg4[%swap3A_53, %swap3A_54, %swap3A_55, %swap3A_56], %swap3A_59 {strides = array<i32>} : memref<16x9x9x384xf32, #tpu.memory_space<vmem>>, vector<16x1x1x384xf32>,
    %add3A_60 = arith.constant 1 : i32
    %add3A_61 = arith.addi %mul3A_0, %add3A_60 : i32
    %add3A_62 = arith.constant 0 : i32
    %add3A_63 = arith.addi %mul3A_2, %add3A_62 : i32
    %get3A_64 = arith.constant 0 : index
    %get3A_65 = arith.index_cast %add3A_61 : i32 to index
    %get3A_66 = arith.index_cast %add3A_63 : i32 to index
    %get3A_67 = arith.constant 0 : index
    %get3A_68 = vector.load %arg3[%get3A_64, %get3A_65, %get3A_66, %get3A_67] : memref<16x8x8x384xf32, #tpu.memory_space<vmem>>, vector<16x1x1x384xf32>
    %get3A_69 = vector.shape_cast %get3A_68 : vector<16x1x1x384xf32> to vector<16x384xf32>
    %mul3A_70 = arith.constant 3 : i32
    %mul3A_71 = arith.muli %mul3A_70, %arg1 : i32
    %add3A_72 = arith.addi %mul3A_71, %arg2 : i32
    %swap3A_73 = arith.constant 0 : index
    %swap3A_74 = arith.index_cast %add3A_72 : i32 to index
    %swap3A_75 = arith.constant 3 : index
    %swap3A_76 = arith.constant 0 : index
    %swap3A_77 = vector.load %arg4[%swap3A_73, %swap3A_74, %swap3A_75, %swap3A_76] : memref<16x9x9x384xf32, #tpu.memory_space<vmem>>, vector<16x1x1x384xf32>
    %swap3A_78 = vector.shape_cast %swap3A_77 : vector<16x1x1x384xf32> to vector<16x384xf32>
    %swap3A_79 = vector.shape_cast %get3A_69 : vector<16x384xf32> to vector<16x1x1x384xf32>
    tpu.vector_store %arg4[%swap3A_73, %swap3A_74, %swap3A_75, %swap3A_76], %swap3A_79 {strides = array<i32>} : memref<16x9x9x384xf32, #tpu.memory_space<vmem>>, vector<16x1x1x384xf32>,
    %add3A_80 = arith.constant 1 : i32
    %add3A_81 = arith.addi %mul3A_0, %add3A_80 : i32
    %add3A_82 = arith.constant 1 : i32
    %add3A_83 = arith.addi %mul3A_2, %add3A_82 : i32
    %get3A_84 = arith.constant 0 : index
    %get3A_85 = arith.index_cast %add3A_81 : i32 to index
    %get3A_86 = arith.index_cast %add3A_83 : i32 to index
    %get3A_87 = arith.constant 0 : index
    %get3A_88 = vector.load %arg3[%get3A_84, %get3A_85, %get3A_86, %get3A_87] : memref<16x8x8x384xf32, #tpu.memory_space<vmem>>, vector<16x1x1x384xf32>
    %get3A_89 = vector.shape_cast %get3A_88 : vector<16x1x1x384xf32> to vector<16x384xf32>
    %mul3A_90 = arith.constant 3 : i32
    %mul3A_91 = arith.muli %mul3A_90, %arg1 : i32
    %add3A_92 = arith.addi %mul3A_91, %arg2 : i32
    %swap3A_93 = arith.constant 0 : index
    %swap3A_94 = arith.index_cast %add3A_92 : i32 to index
    %swap3A_95 = arith.constant 4 : index
    %swap3A_96 = arith.constant 0 : index
    %swap3A_97 = vector.load %arg4[%swap3A_93, %swap3A_94, %swap3A_95, %swap3A_96] : memref<16x9x9x384xf32, #tpu.memory_space<vmem>>, vector<16x1x1x384xf32>
    %swap3A_98 = vector.shape_cast %swap3A_97 : vector<16x1x1x384xf32> to vector<16x384xf32>
    %swap3A_99 = vector.shape_cast %get3A_89 : vector<16x384xf32> to vector<16x1x1x384xf32>
    tpu.vector_store %arg4[%swap3A_93, %swap3A_94, %swap3A_95, %swap3A_96], %swap3A_99 {strides = array<i32>} : memref<16x9x9x384xf32, #tpu.memory_space<vmem>>, vector<16x1x1x384xf32>,
    %add3A_100 = arith.constant 1 : i32
    %add3A_101 = arith.addi %mul3A_0, %add3A_100 : i32
    %add3A_102 = arith.constant 2 : i32
    %add3A_103 = arith.addi %mul3A_2, %add3A_102 : i32
    %get3A_104 = arith.constant 0 : index
    %get3A_105 = arith.index_cast %add3A_101 : i32 to index
    %get3A_106 = arith.index_cast %add3A_103 : i32 to index
    %get3A_107 = arith.constant 0 : index
    %get3A_108 = vector.load %arg3[%get3A_104, %get3A_105, %get3A_106, %get3A_107] : memref<16x8x8x384xf32, #tpu.memory_space<vmem>>, vector<16x1x1x384xf32>
    %get3A_109 = vector.shape_cast %get3A_108 : vector<16x1x1x384xf32> to vector<16x384xf32>
    %mul3A_110 = arith.constant 3 : i32
    %mul3A_111 = arith.muli %mul3A_110, %arg1 : i32
    %add3A_112 = arith.addi %mul3A_111, %arg2 : i32
    %swap3A_113 = arith.constant 0 : index
    %swap3A_114 = arith.index_cast %add3A_112 : i32 to index
    %swap3A_115 = arith.constant 5 : index
    %swap3A_116 = arith.constant 0 : index
    %swap3A_117 = vector.load %arg4[%swap3A_113, %swap3A_114, %swap3A_115, %swap3A_116] : memref<16x9x9x384xf32, #tpu.memory_space<vmem>>, vector<16x1x1x384xf32>
    %swap3A_118 = vector.shape_cast %swap3A_117 : vector<16x1x1x384xf32> to vector<16x384xf32>
    %swap3A_119 = vector.shape_cast %get3A_109 : vector<16x384xf32> to vector<16x1x1x384xf32>
    tpu.vector_store %arg4[%swap3A_113, %swap3A_114, %swap3A_115, %swap3A_116], %swap3A_119 {strides = array<i32>} : memref<16x9x9x384xf32, #tpu.memory_space<vmem>>, vector<16x1x1x384xf32>,
    %add3A_120 = arith.constant 2 : i32
    %add3A_121 = arith.addi %mul3A_0, %add3A_120 : i32
    %add3A_122 = arith.constant 0 : i32
    %add3A_123 = arith.addi %mul3A_2, %add3A_122 : i32
    %get3A_124 = arith.constant 0 : index
    %get3A_125 = arith.index_cast %add3A_121 : i32 to index
    %get3A_126 = arith.index_cast %add3A_123 : i32 to index
    %get3A_127 = arith.constant 0 : index
    %get3A_128 = vector.load %arg3[%get3A_124, %get3A_125, %get3A_126, %get3A_127] : memref<16x8x8x384xf32, #tpu.memory_space<vmem>>, vector<16x1x1x384xf32>
    %get3A_129 = vector.shape_cast %get3A_128 : vector<16x1x1x384xf32> to vector<16x384xf32>
    %mul3A_130 = arith.constant 3 : i32
    %mul3A_131 = arith.muli %mul3A_130, %arg1 : i32
    %add3A_132 = arith.addi %mul3A_131, %arg2 : i32
    %swap3A_133 = arith.constant 0 : index
    %swap3A_134 = arith.index_cast %add3A_132 : i32 to index
    %swap3A_135 = arith.constant 6 : index
    %swap3A_136 = arith.constant 0 : index
    %swap3A_137 = vector.load %arg4[%swap3A_133, %swap3A_134, %swap3A_135, %swap3A_136] : memref<16x9x9x384xf32, #tpu.memory_space<vmem>>, vector<16x1x1x384xf32>
    %swap3A_138 = vector.shape_cast %swap3A_137 : vector<16x1x1x384xf32> to vector<16x384xf32>
    %swap3A_139 = vector.shape_cast %get3A_129 : vector<16x384xf32> to vector<16x1x1x384xf32>
    tpu.vector_store %arg4[%swap3A_133, %swap3A_134, %swap3A_135, %swap3A_136], %swap3A_139 {strides = array<i32>} : memref<16x9x9x384xf32, #tpu.memory_space<vmem>>, vector<16x1x1x384xf32>,
    %add3A_140 = arith.constant 2 : i32
    %add3A_141 = arith.addi %mul3A_0, %add3A_140 : i32
    %add3A_142 = arith.constant 1 : i32
    %add3A_143 = arith.addi %mul3A_2, %add3A_142 : i32
    %get3A_144 = arith.constant 0 : index
    %get3A_145 = arith.index_cast %add3A_141 : i32 to index
    %get3A_146 = arith.index_cast %add3A_143 : i32 to index
    %get3A_147 = arith.constant 0 : index
    %get3A_148 = vector.load %arg3[%get3A_144, %get3A_145, %get3A_146, %get3A_147] : memref<16x8x8x384xf32, #tpu.memory_space<vmem>>, vector<16x1x1x384xf32>
    %get3A_149 = vector.shape_cast %get3A_148 : vector<16x1x1x384xf32> to vector<16x384xf32>
    %mul3A_150 = arith.constant 3 : i32
    %mul3A_151 = arith.muli %mul3A_150, %arg1 : i32
    %add3A_152 = arith.addi %mul3A_151, %arg2 : i32
    %swap3A_153 = arith.constant 0 : index
    %swap3A_154 = arith.index_cast %add3A_152 : i32 to index
    %swap3A_155 = arith.constant 7 : index
    %swap3A_156 = arith.constant 0 : index
    %swap3A_157 = vector.load %arg4[%swap3A_153, %swap3A_154, %swap3A_155, %swap3A_156] : memref<16x9x9x384xf32, #tpu.memory_space<vmem>>, vector<16x1x1x384xf32>
    %swap3A_158 = vector.shape_cast %swap3A_157 : vector<16x1x1x384xf32> to vector<16x384xf32>
    %swap3A_159 = vector.shape_cast %get3A_149 : vector<16x384xf32> to vector<16x1x1x384xf32>
    tpu.vector_store %arg4[%swap3A_153, %swap3A_154, %swap3A_155, %swap3A_156], %swap3A_159 {strides = array<i32>} : memref<16x9x9x384xf32, #tpu.memory_space<vmem>>, vector<16x1x1x384xf32>,
    %add3A_160 = arith.constant 2 : i32
    %add3A_161 = arith.addi %mul3A_0, %add3A_160 : i32
    %add3A_162 = arith.constant 2 : i32
    %add3A_163 = arith.addi %mul3A_2, %add3A_162 : i32
    %get3A_164 = arith.constant 0 : index
    %get3A_165 = arith.index_cast %add3A_161 : i32 to index
    %get3A_166 = arith.index_cast %add3A_163 : i32 to index
    %get3A_167 = arith.constant 0 : index
    %get3A_168 = vector.load %arg3[%get3A_164, %get3A_165, %get3A_166, %get3A_167] : memref<16x8x8x384xf32, #tpu.memory_space<vmem>>, vector<16x1x1x384xf32>
    %get3A_169 = vector.shape_cast %get3A_168 : vector<16x1x1x384xf32> to vector<16x384xf32>
    %mul3A_170 = arith.constant 3 : i32
    %mul3A_171 = arith.muli %mul3A_170, %arg1 : i32
    %add3A_172 = arith.addi %mul3A_171, %arg2 : i32
    %swap3A_173 = arith.constant 0 : index
    %swap3A_174 = arith.index_cast %add3A_172 : i32 to index
    %swap3A_175 = arith.constant 8 : index
    %swap3A_176 = arith.constant 0 : index
    %swap3A_177 = vector.load %arg4[%swap3A_173, %swap3A_174, %swap3A_175, %swap3A_176] : memref<16x9x9x384xf32, #tpu.memory_space<vmem>>, vector<16x1x1x384xf32>
    %swap3A_178 = vector.shape_cast %swap3A_177 : vector<16x1x1x384xf32> to vector<16x384xf32>
    %swap3A_179 = vector.shape_cast %get3A_169 : vector<16x384xf32> to vector<16x1x1x384xf32>
    tpu.vector_store %arg4[%swap3A_173, %swap3A_174, %swap3A_175, %swap3A_176], %swap3A_179 {strides = array<i32>} : memref<16x9x9x384xf32, #tpu.memory_space<vmem>>, vector<16x1x1x384xf32>,
    return
  }
  func.func @transform_0(%arg0: i32, %arg1: i32, %arg2: i32) -> (i32, i32, i32, i32) {
    %mul3A = arith.constant 3 : i32
    %mul3A_0 = arith.muli %mul3A, %arg1 : i32
    %mul3A_1 = arith.constant 3 : i32
    %mul3A_2 = arith.muli %mul3A_1, %arg2 : i32
    %c0_i32 = arith.constant 0 : i32
    %c0_i32_3 = arith.constant 0 : i32
    return %arg0, %mul3A_0, %mul3A_2, %c0_i32 : i32, i32, i32, i32
  }
  func.func @transform_1(%arg0: i32, %arg1: i32, %arg2: i32) -> (i32, i32, i32, i32) {
    %c0_i32 = arith.constant 0 : i32
    %c0_i32_0 = arith.constant 0 : i32
    %c0_i32_1 = arith.constant 0 : i32
    %c0_i32_2 = arith.constant 0 : i32
    return %arg0, %c0_i32, %c0_i32_0, %c0_i32_1 : i32, i32, i32, i32
  }
}

</mosaic_0001>

<sc_bundles>
// kernel: gather_offload_async_start
scs
__scs_entry_jumppad:
0x0: {  	(pc) =	sbr.rel $0x88, $3  }
0x1: {  	(tag) =	ssettag $0x0;
	lr =	simm.s32 $0x1  }
0x2: {  	[smem:$0x3FA0] =	sst lr;
	_ =	strace $0xD0000000  }
0x3: {  	_ = 	snop  }
0x4: {  	_ = 	snop  }
0x5: {  	_ = 	snop  }
0x6: {  	_ = 	snop  }
0x7: {  	_ = 	snop  }
__scs_overlays_trampoline_lowered:
0x8: {  	[smem:$0x3FAF] =	sst s0  }
0x9: {  	[smem:$0x3FB0] =	sst s1  }
0xa: {  	[smem:$0x3FB1] =	sst s2  }
0xb: {  	[smem:$0x3FB2] =	sst s3  }
0xc: {  	[smem:$0x3FB3] =	sst s4  }
0xd: {  	[smem:$0x3FB4] =	sst s5  }
0xe: {  	[smem:$0x3FB5] =	sst s6  }
0xf: {  	[smem:$0x3FB6] =	sst s7  }
0x10: {  	[smem:$0x3FB7] =	sst s8  }
0x11: {  	[smem:$0x3FB8] =	sst s9;
	s0 =	simm.s32 @!p0 $0x0  }
0x12: {  	s1 =	sld [smem:$0x3F9E];
	s0 =	simm.s32 @p0 $0x1  }
0x13: {  	[smem:$0x3FB9] =	sst s0;
	s0 =	simm.s32 @!p1 $0x0  }
0x14: {  	s2 =	sld [smem:$0x3F9D];
	s0 =	simm.s32 @p1 $0x1  }
0x15: {  	[smem:$0x3FBA] =	sst s0;
	s0 =	simm.s32 @!p2 $0x0  }
0x16: {  	s3 =	sld [smem:$0x3FDB];
	s0 =	simm.s32 @p2 $0x1  }
0x17: {  	s4 =	simm.s32 $0x1BF5;
	[smem:$0x3FBC] =	sst s0  }
0x18: {  	s0 =	sld [smem:$0x3F9F];
	_ =	swait.ge [sflag:s4], $0x0  }
0x19: {  	s7 =	sld [smem:$0x3FA0]  }
0x1a: {  	s8 =	sadd.s32 $0xFFFFE003, lr  }
0x1b: {  	s9 =	sadd.s32 $0xFFFFFEF7, lr;
	s5 =	simm.s32 $0xFFFFFFFF;
	p2 =	slt.u32 s8, $0xFFFFF086  }
0x1c: {  	p1 =	slt.u32 s9, $0xF7A;
	s5 =	simm.s32 @!p2 $0x0  }
0x1d: {  	s5 =	simm.s32 @p1 $0x1;
	p0 =	seq.s32 s7, s2  }
0x1e: {  	s7 =	smul.u32 @!p0 $0xF7A, s2;
	p2 =	seq.s32 @!p0 s5, $0x0  }
0x1f: {  	s9 =	smul.u32 $0xF7A, s1;
	s8 =	simm.s32 @!p0 $0x1BF5;
	p2 =	por !p2, p0  }
0x20: {  	[sflag:s8] =	ssyncset.s32 @!p0 $0xFFFFF086;
	s6 =	sadd.s32 @!p0 s3, s7;
	s7 =	simm.s32 @!p0 $0x108  }
0x21: {  	s3 =	sadd.s32 s3, s9;
	s6 =	sadd.s32 @!p0 $0x88, s6;
	s7 =	simm.s32 @p2 $0x1082  }
0x22: {  	[simem:s7], [sflag:s8] =	dma.local @!p0 [hbm:s6], $0xF7A  }
0x23: {  	s9 =	sor.u32 $0xD0000000, s2;
	s6 =	simm.s32 $0x108;
	_ =	swait.ge @!p0 [sflag:s8], $0x0  }
0x24: {  	s3 =	sadd.s32 $0x88, s3;
	s6 =	simm.s32 @!p1 $0x1082;
	[sflag:s4] =	ssyncset.s32 $0xFFFFF086  }
0x25: {  	[simem:s6], [sflag:s4] =	dma.local [hbm:s3], $0xF7A  }
0x26: {  	[smem:$0x3FA0] =	sst s1;
	(tag) =	ssettag s2;
	_ =	strace s9  }
0x27: {  	s1 =	sld [smem:$0x3FB0]  }
0x28: {  	s2 =	sld [smem:$0x3FB1]  }
0x29: {  	s4 =	sld [smem:$0x3FB3]  }
0x2a: {  	p0 =	seq.s32 s5, $0x0;
	s5 =	sld [smem:$0x3FB4]  }
0x2b: {  	s6 =	sld [smem:$0x3FB5]  }
0x2c: {  	s7 =	sld [smem:$0x3FB6]  }
0x2d: {  	s3 =	simm.s32 $0x108;
	s8 =	sld [smem:$0x3FB7]  }
0x2e: {  	s3 =	simm.s32 @!p0 $0x1082;
	s9 =	sld [smem:$0x3FB8]  }
0x2f: {  	lr =	sadd.s32 s0, s3;
	s0 =	sld [smem:$0x3FAF]  }
0x30: {  	s3 =	sld [smem:$0x3FB2]  }
0x31: {  	[smem:$0x3FBB] =	sst s10  }
0x32: {  	s10 =	sld [smem:$0x3FB9];
	_ =	sdelay $0x3  }
0x33: {  	p0 =	seq.s32 s10, $0x1;
	s10 =	sld [smem:$0x3FBB];
	_ =	sdelay $0x3  }
0x34: {  	[smem:$0x3FBB] =	sst s10  }
0x35: {  	s10 =	sld [smem:$0x3FBA];
	_ =	sdelay $0x3  }
0x36: {  	p1 =	seq.s32 s10, $0x1;
	s10 =	sld [smem:$0x3FBB];
	_ =	sdelay $0x3  }
0x37: {  	[smem:$0x3FBB] =	sst s10  }
0x38: {  	s10 =	sld [smem:$0x3FBC]  }
0x39: {  	_ = 	snop;
	(pc) =	sbr.ind lr, $3  }
0x3a: {  	_ = 	snop  }
0x3b: {  	_ = 	snop  }
0x3c: {  	p2 =	seq.s32 s10, $0x1;
	s10 =	sld [smem:$0x3FBB]  }
0x3d: {  	_ =	shalt  }
0x3e: {  	_ =	shalt  }
0x3f: {  	_ =	shalt  }
0x40: {  	_ =	shalt  }
0x41: {  	_ =	shalt  }
0x42: {  	_ =	shalt  }
0x43: {  	_ =	shalt  }
0x44: {  	_ =	shalt  }
0x45: {  	_ =	shalt  }
0x46: {  	_ =	shalt  }
0x47: {  	_ =	shalt  }
0x48: {  	_ =	shalt  }
0x49: {  	_ =	shalt  }
0x4a: {  	_ =	shalt  }
0x4b: {  	_ =	shalt  }
0x4c: {  	_ =	shalt  }
0x4d: {  	_ =	shalt  }
0x4e: {  	_ =	shalt  }
0x4f: {  	_ =	shalt  }
0x50: {  	_ =	shalt  }
0x51: {  	_ =	shalt  }
0x52: {  	_ =	shalt  }
0x53: {  	_ =	shalt  }
0x54: {  	_ =	shalt  }
0x55: {  	_ =	shalt  }
0x56: {  	_ =	shalt  }
0x57: {  	_ =	shalt  }
0x58: {  	_ =	shalt  }
0x59: {  	_ =	shalt  }
0x5a: {  	_ =	shalt  }
0x5b: {  	_ =	shalt  }
0x5c: {  	_ =	shalt  }
0x5d: {  	_ =	shalt  }
0x5e: {  	_ =	shalt  }
0x5f: {  	_ =	shalt  }
0x60: {  	_ =	shalt  }
0x61: {  	_ =	shalt  }
0x62: {  	_ =	shalt  }
0x63: {  	_ =	shalt  }
0x64: {  	_ =	shalt  }
0x65: {  	_ =	shalt  }
0x66: {  	_ =	shalt  }
0x67: {  	_ =	shalt  }
0x68: {  	_ =	shalt  }
0x69: {  	_ =	shalt  }
0x6a: {  	_ =	shalt  }
0x6b: {  	_ =	shalt  }
0x6c: {  	_ =	shalt  }
0x6d: {  	_ =	shalt  }
0x6e: {  	_ =	shalt  }
0x6f: {  	_ =	shalt  }
0x70: {  	_ =	shalt  }
0x71: {  	_ =	shalt  }
0x72: {  	_ =	shalt  }
0x73: {  	_ =	shalt  }
0x74: {  	_ =	shalt  }
0x75: {  	_ =	shalt  }
0x76: {  	_ =	shalt  }
0x77: {  	_ =	shalt  }
0x78: {  	_ =	shalt  }
0x79: {  	_ =	shalt  }
0x7a: {  	_ =	shalt  }
0x7b: {  	_ =	shalt  }
0x7c: {  	_ =	shalt  }
0x7d: {  	_ =	shalt  }
0x7e: {  	_ =	shalt  }
0x7f: {  	_ =	shalt  }
0x80: {  	_ =	shalt  }
0x81: {  	_ =	shalt  }
0x82: {  	_ =	shalt  }
0x83: {  	_ =	shalt  }
0x84: {  	_ =	shalt  }
0x85: {  	_ =	shalt  }
0x86: {  	_ =	shalt  }
0x87: {  	_ =	shalt  }
.Lfunc_end0:
.L_simem_size_0:
called_computation_lowered:
.L_overlay_start_0:
0x88: {  	s2 =	sld [smem:$0x3FD9]  }
0x89: {  	s3 =	sld [smem:$0x3FFE];
	_ =	sdelay $0x1  }
0x8a: {  	s1 =	srdreg.scid  }
0x8b: {  	s0 =	sand.u32 $0x1, s1  }
0x8c: {  	s17 =	sshll.u32 s0, $0xA;
	s2 =	sadd.s32 s3, s2  }
0x8d: {  	s2 =	sadd.s32 s2, s17  }
0x8e: {  	[smem:$0x3FC7] =	sst s2  }
0x8f: {  	_ = 	snop  }
0x90: {  	s2 =	sld [smem:$0x3FD0];
	(tm) =	ssettm $0x1  }
0x91: {  	s18 =	sld [smem:$0x3FFB];
	_ =	sdelay $0x3  }
0x92: {  	_ =	strace s18  }
0x93: {  	s3 =	sld [smem:$0x3FFC];
	_ =	sdelay $0x3  }
0x94: {  	_ =	strace s3  }
0x95: {  	s3 =	sld [smem:$0x3FFD];
	_ =	sdelay $0x3  }
0x96: {  	_ =	strace s3  }
0x97: {  	_ =	strace $0x8FFFFFFF  }
0x98: {  	s19 =	sld [smem:$0x3FDB];
	_ =	sdelay $0x1  }
0x99: {  	s4 =	simm.s32 $_scs_section_size  }
0x9a: {  	s5 =	simm.s32 $_size__tile_overlayer_lowered;
	s6 =	simm.s32 $_tile_overlayer_lowered  }
0x9b: {  	s22 =	simm.s32 $0x1BFF;
	s21 =	sshll.u32 s6, $0x1;
	s3 =	sadd.s32 s4, s19  }
0x9c: {  	s7 =	simm.s32 $0x0;
	s20 =	sshll.u32 s5, $0x1;
	s5 =	sadd.s32 s21, s3  }
0x9d: {  	[timem:s7], [sflag:s22] =	dma.local [hbm:s5], s20  }
0x9e: {  	_ =	swait.ge [sflag:s22], s20  }
0x9f: {  	s4 =	ssub.s32 $0x0, s20;
	[sflag:s22] =	ssyncset.done $0x0  }
0xa0: {  	[sflag:s22] =	ssyncadd.s32 s4;
	_ =	sdelay $0x1  }
0xa1: {  	s23 =	simm.s32 $0x1B8B  }
0xa2: {  	_ =	swait.ge [sflag:s23], $0x1  }
0xa3: {  	[sflag:s23] =	ssyncset.done $0x0  }
0xa4: {  	s25 =	simm.s32 $0x1B8E;
	s24 =	sld [smem:$0x3FFE];
	[sflag:s23] =	ssyncadd.s32 $0xFFFFFFFF  }
0xa5: {  	s26 =	simm.s32 $execute0_lowered;
	[smem:$0x3FD2] =	sst s25  }
0xa6: {  	s5 =	sshll.u32 s26, $0x1;
	_ =	strace $0x80000046;
	[dreg:$0x1] =	wrdreg $0xFFFFFFFF  }
0xa7: {  	s28 =	simm.s32 $_size_execute0_lowered;
	s3 =	sadd.s32 s3, s5;
	[dreg:$0x0] =	wrdreg $0x0  }
0xa8: {  	s5 =	sshll.u32 s28, $0x1;
	[dreg:$0x2] =	wrdreg s3  }
0xa9: {  	[dreg:$0x3] =	wrdreg s5  }
0xaa: {  	[dreg:$0x4] =	wrdreg $0xC0  }
0xab: {  	_ =	task [dreg:s7], $0x5FFFF  }
0xac: {  	[dreg:$0x1] =	wrdreg $0xFFFFFFFF  }
0xad: {  	[dreg:$0x0] =	wrdreg $0x60  }
0xae: {  	[dreg:$0x2] =	wrdreg s24  }
0xaf: {  	[dreg:$0x3] =	wrdreg s2  }
0xb0: {  	[dreg:$0x4] =	wrdreg $0x9  }
0xb1: {  	_ =	task.clear_ibuf [dreg:s7], $0x5FFFF;
	_ =	strace $0x90000046  }
0xb2: {  	s29 =	simm.s32 $0x9;
	_ =	strace $0x80000048  }
0xb3: {  	_ =	swait.ge [sflag:s29], $0x1  }
0xb4: {  	[sflag:s29] =	ssyncadd.s32 $0xFFFFFFFF  }
0xb5: {  	_ =	strace $0x90000048  }
0xb6: {  	_ =	sfence  }
0xb7: {  	s30 =	sld [smem:$0x0];
	_ =	sdelay $0x2  }
0xb8: {  	s31 =	sshll.u32 s1, $0xD;
	s1 =	sshrl.u32 s1, $0x2  }
0xb9: {  	s3 =	sand.u32 $0x4000, s31;
	s1 =	sadd.s32 s1, s30  }
0xba: {  	s0 =	sor.u32 s3, s0;
	s1 =	sshll.u32 s1, $0x11  }
0xbb: {  	s0 =	sor.u32 s1, s0  }
0xbc: {  	s0 =	sadd.s32 $0x8F2B, s0  }
0xbd: {  	[sflag:s0] =	ssyncadd.remote.s32 $0x1  }
0xbe: {  	_ =	sfence.sel $0xFFFF  }
0xbf: {  	[dreg:$0x0] =	wrdreg $0xFFFFFFFF;
	(pc) =	sbr.abs _section_cstart, $3  }
0xc0: {  	[dreg:$0x1] =	wrdreg $0xFFFFFFFF  }
0xc1: {  	_ =	task.clear_ibuf [dreg:s7], $0x2FFFF;
	_ =	strace $0x9FFFFFFF  }
0xc2: {  	(tm) =	ssettm $0x7FFFFFFF  }
0xc3: {  	_ =	shalt  }
tec
execute0_lowered:
.L_overlay_start_1:
0x0: {  	(tag) =	ssettag $0x1  }
0x1: {  	s0 =	srdreg.scid  }
0x2: {  	s1 =	sshll.u32 s0, $0x4  }
0x3: {  	s0 =	stileid.u32;
	s1 =	sand.u32 $0x10, s1  }
0x4: {  	s2 =	sor.u32 s0, s1  }
0x5: {  	s1 =	smin.u32 s2, $0x8;
	s3 =	sshll.u32 s2, $0x1  }
0x6: {  	s1 =	sadd.s32 s1, s3  }
0x7: {  	p0 =	slt.u32 s2, $0x8;
	s2 =	simm.s32 $0x90;
	s1 =	smul.u32 $0x30, s1  }
0x8: {  	s2 =	simm.s32 @!p0 $0x60  }
0x9: {  	s2 =	sadd.s32 s2, s1  }
0xa: {  	s3 =	smin.u32 s2, $0xD80  }
0xb: {  	s7 =	ssub.s32 s3, s1  }
0xc: {  	p0 =	sgt.s32 s7, $0x0  }
0xd: {  	s8 =	rddreg [dreg:$0x0];
	s7 =	simm.s32 @!p0 $0x0  }
0xe: {  	s4 =	rddreg [dreg:$0x1];
	s6 =	simm.s32 $0x1;
	s31 =	smul.u32 $0xAAAB, s7  }
0xf: {  	s11 =	simm.s32 $0x3;
	s15 =	simm.s32 $0x0;
	s14 =	simm.s32 $0x0  }
0x10: {  	s13 =	simm.s32 $0x0;
	s5 =	sadd.s32 $0x400, s8;
	s9 =	sshrl.u32 s31, $0x15  }
0x11: {  	s2 =	rddreg [dreg:$0x2];
	_ =	strace $0x80000047;
	s10 =	smul.u32 $0x30, s9  }
.Ltmp0:
0x12: {  	s8 =	sadd.s32 $0xD8400, s8;
	[sflag:s6] =	ssyncpa.u1 $0x0;
	(pc) =	sbr.rel .LBB2_1-.Ltmp0, $4  }
0x13: {  	p0 =	sne.s32 s7, s10;
	s10 =	simm.s32 $0x1;
	s7 =	simm.s32 $0x2  }
0x14: {  	s12 =	smov.u32 s1;
	s10 =	simm.s32 @!p0 $0x0;
	[sflag:s7] =	ssyncpa.u1 $0x0  }
0x15: {  	p0 =	por $0x0, $0x0;
	s10 =	sadd.s32 s9, s10;
	[sflag:s11] =	ssyncpa.u1 $0x0  }
0x16: {  	vm0 =	vmmov $0xffff;
	s11 =	simm.s32 $0x0;
	s9 =	sshll.u32 s10, $0x1;
	s10 =	sshllo.u32 s10, $0x1  }
.LBB2_6:
0x17: {  	[hbm:s18] =	stream.linear.scatter [tilespmem:s15], [sflag:$0x3], $0x400, $0x38;
	[tilespmem:$0x18060] =	vst v63  }
.LBB2_7:
0x18: {  	s16 =	sadd.s32 $0x8, s11;
	p1 =	slt.u32 s13, $0x2  }
0x19: {  	s14 =	sadd.s32 $0x30, s12;
	s15 =	smov.u32 s12;
	p2 =	sgt.s32 s16, $0xF  }
0x1a: {  	s15 =	smov.u32 @p2 s14;
	s16 =	simm.s32 @p2 $0x0;
	p2 =	sne.s32 s13, s10  }
.Ltmp1:
0x1b: {  	s17 =	simm.s32 @!p1 $0x3;
	(pc) =	sbr.rel @!p2 .LBB2_8-.Ltmp1, $4  }
0x1c: {  	s18 =	smov.u32 s1;
	p0 =	por !p0, !p0;
	_ =	swait.ge @!p1 [sflag:s17], $0xC000  }
0x1d: {  	s13 =	sadd.s32 $0x1, s13;
	s14 =	smov.u32 s12;
	p3 =	slt.s32 s15, s3  }
0x1e: {  	[sflag:s17] =	ssyncset.done @!p1 $0x0;
	s18 =	smov.u32 @p3 s15;
	s15 =	smov.u32 s11  }
0x1f: {  	[sflag:s17] =	ssyncadd.s32 @!p1 $0xFFFF4000;
	s11 =	smov.u32 s16;
	s12 =	smov.u32 s18  }
.LBB2_1:
0x20: {  	p1 =	sge.u32 s13, s9  }
0x21: {  	s16 =	sxor.u32 @!p1 $0xFFFFFFFF, s13  }
0x22: {  	s16 =	sand.u32 @!p1 $0x1, s16  }
0x23: {  	s16 =	smul.u32 @!p1 $0xC0, s16  }
0x24: {  	s31 =	sadd.s32 $0xFFFFFFFF, s13;
	s17 =	sshrl.u32 @!p1 s12, $0x3  }
0x25: {  	s18 =	sand.u32 @!p1 $0x7, s12;
	s17 =	sadd.s32 @!p1 s4, s17;
	s16 =	sshrl.u32 @!p1 s16, $0x2  }
0x26: {  	[tilespmem:s16], [sflag:$0x2] =	stream.linear.gather @!p1 [hbm4b:s17+s18], $0x30, $0x38;
	[tilespmem:$0x18060] =	vst v63  }
0x27: {  	p1 =	sge.u32 s31, s9  }
.Ltmp2:
0x28: {  	_ = 	snop;
	(pc) =	sbr.rel @p1 .LBB2_7-.Ltmp2, $1  }
0x29: {  	_ =	sdelay $0x3  }
0x2a: {  	s17 =	simm.s32 $0x1  }
0x2b: {  	s17 =	simm.s32 @!p0 $0x0  }
0x2c: {  	s16 =	smul.u32 $0xC0, s17  }
0x2d: {  	_ =	swait.ge [sflag:s7], $0x30  }
0x2e: {  	[sflag:s7] =	ssyncset.done $0x0;
	s16 =	sshrl.u32 s16, $0x2  }
0x2f: {  	[sflag:s7] =	ssyncadd.s32 $0xFFFFFFD0;
	s18 =	sadd.s32 $0x0, s16  }
0x30: {  	v0 =	vld.msk [tilespmem:s18+$0x0 ss:$0x1], $0xffff;
	_ =	sdelay $0x4  }
0x31: {  	s17 =	smul.u32 $0x30000, s17;
	vm1 =	vgt.s32 v0, $0x0  }
0x32: {  	s15 =	sshll.u32 s15, $0x4;
	v0 =	vnsel vm1, $0x0, v0  }
0x33: {  	s31 =	sshrl.u32 s17, $0x2;
	s17 =	sand.u32 $0xFFFFFF80, s15;
	v1 =	vmin.u32 v0, $0xD7F  }
0x34: {  	v0 =	vmov s17;
	v1 =	vshll.u32 v1, $0x8  }
0x35: {  	v1 =	vadd.s32 v0, v1;
	_ =	sdelay $0x2  }
0x36: {  	s15 =	sor.u32 $0x60, s31  }
0x37: {  	s18 =	simm.s32 $0x40;
	s19 =	sadd.s32 $0x4000, s15;
	s20 =	smov.u32 s15  }
.LBB2_3:
0x38: {  	[tilespmem:s20], [sflag:$0x1] =	stream.indirect_vreg.gather [hbm:s5], $0x400, v1, vm0, $0x38;
	[tilespmem:$0x18060] =	vst v63  }
0x39: {  	s20 =	sshra.s32 s18, $0x2;
	p1 =	sne.s32 s18, $0x80;
	s18 =	sadd.s32 $0x40, s18  }
0x3a: {  	s21 =	sadd.s32 s20, s16;
	s20 =	smov.u32 s19  }
0x3b: {  	v1 =	vld.msk [tilespmem:s21+$0x0 ss:$0x1], $0xffff;
	_ =	sdelay $0x5  }
0x3c: {  	vm1 =	vgt.s32 v1, $0x0  }
0x3d: {  	v1 =	vnsel vm1, $0x0, v1  }
0x3e: {  	v1 =	vmin.u32 v1, $0xD7F  }
0x3f: {  	v1 =	vshll.u32 v1, $0x8  }
.Ltmp3:
0x40: {  	v1 =	vadd.s32 v0, v1;
	(pc) =	sbr.rel @p1 .LBB2_3-.Ltmp3, $2  }
0x41: {  	_ =	sdelay $0x2  }
0x42: {  	s19 =	sadd.s32 $0x4000, s19  }
0x43: {  	_ =	sdelay $0x3  }
0x44: {  	[tilespmem:s20], [sflag:$0x1] =	stream.indirect_vreg.gather [hbm:s5], $0x400, v1, vm0, $0x38;
	[tilespmem:$0x18060] =	vst v63  }
0x45: {  	s14 =	sshll.u32 s14, $0x8  }
0x46: {  	_ =	swait.ge [sflag:s6], $0xC000;
	s14 =	sadd.s32 s14, s8  }
0x47: {  	s16 =	simm.s32 $0x100;
	[sflag:s6] =	ssyncset.done $0x0;
	s14 =	sadd.s32 s17, s14  }
0x48: {  	s17 =	sadd.s32 $0x400, s15;
	[sflag:s6] =	ssyncadd.s32 $0xFFFF4000;
	s18 =	sadd.s32 $0x0, s14  }
.LBB2_5:
0x49: {  	[hbm:s18] =	stream.linear.scatter [tilespmem:s15], [sflag:$0x3], $0x400, $0x38;
	[tilespmem:$0x18060] =	vst v63  }
0x4a: {  	s18 =	smov.u32 s16;
	s15 =	smov.u32 s17;
	p1 =	sne.s32 s16, $0x2F00  }
.Ltmp4:
0x4b: {  	s16 =	sadd.s32 $0x100, s16;
	(pc) =	sbr.rel @p1 .LBB2_5-.Ltmp4, $2  }
0x4c: {  	_ =	sdelay $0x2  }
0x4d: {  	s17 =	sadd.s32 $0x400, s17;
	s18 =	sadd.s32 s18, s14  }
.Ltmp5:
0x4e: {  	_ = 	snop;
	(pc) =	sbr.rel .LBB2_6-.Ltmp5, $1  }
0x4f: {  	_ =	sdelay $0x3  }
.LBB2_8:
0x50: {  	_ =	sfence.sel $0x180000  }
0x51: {  	s1 =	simm.s32 $0x2;
	[bflag:$0x0] =	sbarrier.arrive $0xFFFF  }
0x52: {  	s30 =	simm.s32 $0x3;
	[sflag:s1] =	ssyncpa.u1 $0x1  }
0x53: {  	s31 =	simm.s32 $0x1;
	[sflag:s30] =	ssyncpa.u1 $0x1  }
0x54: {  	[sflag:s31] =	ssyncpa.u1 $0x1  }
0x55: {  	p0 =	sne.s32 s0, $0x0;
	_ =	strace $0x90000047  }
0x56: {  	s0 =	sadd.s32 @!p0 $0x100000, s2;
	[bflag:$0x2] =	sbarrier.arrive $0xFFFF  }
0x57: {  	[sflag:s0] =	ssyncadd.tile.s32 @!p0 $0x1;
	_ =	shalt  }
.Lfunc_end2:
_tile_overlayer_lowered:
.L_overlay_start_2:
0x58: {  	(tag) =	ssettag $0x2  }
0x59: {  	s0 =	rddreg [dreg:$0x0];
	s2 =	stileid.u32  }
0x5a: {  	s1 =	rddreg [dreg:$0x1];
	p0 =	sne.s32 s2, $0x0  }
0x5b: {  	s3 =	rddreg [dreg:$0x2];
	[bflag:$0x3] =	sbarrier.arrive $0xFFFF;
	s2 =	simm.s32 @!p0 $0x1C01  }
0x5c: {  	[timem:s3], [sflag:s2] =	dma.local @!p0 [hbm:s0], s1  }
0x5d: {  	s0 =	simm.s32 @!p0 $0x1  }
0x5e: {  	_ =	swait.ge @!p0 [sflag:s0], s1  }
0x5f: {  	s1 =	ssub.s32 @!p0 $0x0, s1;
	[sflag:s0] =	ssyncset.done @!p0 $0x0  }
0x60: {  	[sflag:s0] =	ssyncadd.s32 @!p0 s1  }
0x61: {  	[bflag:$0x3] =	sbarrier.arrive $0xFFFF  }
0x62: {  	_ =	shalt  }

</sc_bundles>
